<compile_context>
chip_gen: v7x
topology: tpu7x:2x2x1
jax: 0.10.2.dev20260603
libtpu: 0.0.44.dev20260713+nightly
codegen_flags: <defaults>
</compile_context>

<pallas_src>
import jax
import jax.numpy as jnp
from jax import lax
from jax.experimental import pallas as pl
from jax.experimental.pallas import tpu as pltpu
from jax.experimental.pallas import tpu_sc as plsc

VOCAB = 1000000
N_SEG = 2
MAX_LEN = 200
EMBED = 64
BATCH = 4096
WIDE = 128

N = BATCH * MAX_LEN
NC, NS = 2, 16
NW = NC * NS
ROWS_PER_W = N // NW
CHUNK = 512
NCHUNKS = ROWS_PER_W // CHUNK


def _body(tok_hbm, comb_hbm, idx_hbm, cidx_hbm, out_hbm,
          comb_s, idx_v, cidx_v, rows0, rows1,
          semc0, semc1, semt0, semt1, semo0, semo1):
  sid = lax.axis_index("s")
  wid = sid * NC + lax.axis_index("c")
  wbase = wid * ROWS_PER_W

  @pl.when(sid == 0)
  def _():
    pltpu.sync_copy(comb_hbm, comb_s)

  pltpu.sync_copy(idx_hbm.at[pl.ds(wbase, ROWS_PER_W)], idx_v)
  pltpu.sync_copy(cidx_hbm.at[pl.ds(wbase, ROWS_PER_W)], cidx_v)
  plsc.subcore_barrier()

  rows = (rows0, rows1)
  semc = (semc0, semc1)
  semt = (semt0, semt1)
  semo = (semo0, semo1)

  def gathers(k, p):
    off = k * CHUNK
    pltpu.async_copy(
        comb_s.at[cidx_v.at[pl.ds(off, CHUNK)]], rows[p], semc[p]).wait()
    pltpu.async_copy(
        tok_hbm.at[idx_v.at[pl.ds(off, CHUNK)]], rows[p], semt[p], add=True)

  def wait_tok(k, p):
    off = k * CHUNK
    pltpu.make_async_copy(
        tok_hbm.at[idx_v.at[pl.ds(off, CHUNK)]], rows[p], semt[p]).wait()

  def store(k, p):
    pltpu.async_copy(
        rows[p],
        out_hbm.at[pl.ds(wbase + k * CHUNK, CHUNK), pl.ds(0, EMBED)],
        semo[p])

  def wait_store(k, p):
    pltpu.make_async_copy(
        rows[p],
        out_hbm.at[pl.ds(wbase + k * CHUNK, CHUNK), pl.ds(0, EMBED)],
        semo[p]).wait()

  gathers(0, 0)
  gathers(1, 1)

  def step(j, carry):
    for p in (0, 1):
      k = 2 * j + p
      wait_tok(k, p)
      store(k, p)

      @pl.when(j < NCHUNKS // 2 - 1)
      def _():
        wait_store(k, p)
        gathers(k + 2, p)
    return carry

  lax.fori_loop(0, NCHUNKS // 2, step, 0)
  wait_store(NCHUNKS - 2, 0)
  wait_store(NCHUNKS - 1, 1)


@jax.jit
def _run(tok_table, comb, idx, cidx):
  mesh = plsc.VectorSubcoreMesh(core_axis_name="c", subcore_axis_name="s")
  f = pl.kernel(
      _body,
      out_type=jax.ShapeDtypeStruct((N, WIDE), jnp.float32),
      mesh=mesh,
      scratch_types=[
          pltpu.VMEM_SHARED((N_SEG * MAX_LEN, EMBED), jnp.float32),
          pltpu.VMEM((ROWS_PER_W,), jnp.int32),
          pltpu.VMEM((ROWS_PER_W,), jnp.int32),
          pltpu.VMEM((CHUNK, EMBED), jnp.float32),
          pltpu.VMEM((CHUNK, EMBED), jnp.float32),
          pltpu.SemaphoreType.DMA,
          pltpu.SemaphoreType.DMA,
          pltpu.SemaphoreType.DMA,
          pltpu.SemaphoreType.DMA,
          pltpu.SemaphoreType.DMA,
          pltpu.SemaphoreType.DMA,
      ],
      compiler_params=pltpu.CompilerParams(use_tc_tiling_on_sc=False),
  )
  return f(tok_table, comb, idx, cidx)


def kernel(seq, seg, tok_table, seg_table, pos_table):
  comb = (seg_table[:, None, :] + pos_table[None, :, :]).reshape(
      N_SEG * MAX_LEN, EMBED)
  idx = seq.T.reshape(N)
  cidx = (seg.T * MAX_LEN
          + jnp.arange(MAX_LEN, dtype=jnp.int32)[:, None]).reshape(N)
  out = _run(tok_table, comb, idx, cidx)
  return (out[:, :EMBED].reshape(MAX_LEN, BATCH, EMBED).transpose(1, 0, 2))

# --- scband reference (transcript-rebuilt; emitter-appended) ---
"""Pipeline reference for scband-bertembedding-43052752175346 (READ-ONLY COPY).

The authoritative reference and input builder live on the scoring server;
editing this copy changes nothing except your own understanding.
"""

import jax, jax.numpy as jnp
import numpy as np

VOCAB = 1000000
N_SEG = 2
MAX_LEN = 200
EMBED = 64
BATCH = 4096

def setup_inputs(seed: int = 0) -> dict:
    key = jax.random.key(seed)
    k1, k2, k3, k4, k5 = jax.random.split(key, 5)
    seq = jax.random.randint(k1, (BATCH, MAX_LEN), 0, VOCAB, dtype=jnp.int64 if jax.config.jax_enable_x64 else jnp.int32).astype(jnp.int32)
    seg = jax.random.randint(k2, (BATCH, MAX_LEN), 0, N_SEG, dtype=jnp.int32)
    tok_table = jax.random.normal(k3, (VOCAB, EMBED), dtype=jnp.float32)
    seg_table = jax.random.normal(k4, (N_SEG, EMBED), dtype=jnp.float32)
    pos_table = jax.random.normal(k5, (MAX_LEN, EMBED), dtype=jnp.float32)
    return {"seq": seq, "seg": seg, "tok_table": tok_table, "seg_table": seg_table, "pos_table": pos_table}

def reference(seq, seg, tok_table, seg_table, pos_table):
    # tok_embed(seq) + seg_embed(seg) + pos_embed(pos_inp)
    pos_inp = jnp.arange(MAX_LEN)
    tok = jnp.take(tok_table, seq, axis=0)          # [B, L, D]
    sgm = jnp.take(seg_table, seg, axis=0)          # [B, L, D]
    pos = jnp.take(pos_table, pos_inp, axis=0)      # [L, D], broadcasts over batch
    embed_val = tok + sgm + pos
    # dropout is identity in eval mode
    return embed_val

if __name__ == "__main__":
    import jax
    _d = setup_inputs()
    print(jax.jit(kernel)(*tuple(_d.values())))

</pallas_src>

<mosaic_0001>
#map = affine_map<(d0, d1) -> (0, 0)>
#map1 = affine_map<(d0, d1) -> (0)>
module attributes {stable_mosaic.version = 14 : i64} {
  func.func @_body(%arg0: i32, %arg1: i32, %arg2: memref<1000000x64xf32, #tpu.memory_space<hbm>>, %arg3: memref<400x64xf32, #tpu.memory_space<hbm>>, %arg4: memref<819200xi32, #tpu.memory_space<hbm>>, %arg5: memref<819200xi32, #tpu.memory_space<hbm>>, %arg6: memref<819200x128xf32, #tpu.memory_space<hbm>>, %arg7: memref<400x64xf32, #tpu.memory_space<vmem_shared>>, %arg8: memref<25600xi32, #tpu.memory_space<vmem>>, %arg9: memref<25600xi32, #tpu.memory_space<vmem>>, %arg10: memref<512x64xf32, #tpu.memory_space<vmem>>, %arg11: memref<512x64xf32, #tpu.memory_space<vmem>>, %arg12: memref<!tpu.dma_semaphore, #tpu.memory_space<semaphore_mem>>, %arg13: memref<!tpu.dma_semaphore, #tpu.memory_space<semaphore_mem>>, %arg14: memref<!tpu.dma_semaphore, #tpu.memory_space<semaphore_mem>>, %arg15: memref<!tpu.dma_semaphore, #tpu.memory_space<semaphore_mem>>, %arg16: memref<!tpu.dma_semaphore, #tpu.memory_space<semaphore_mem>>, %arg17: memref<!tpu.dma_semaphore, #tpu.memory_space<semaphore_mem>>) attributes {dimension_semantics = [#tpu.dimension_semantics<core_parallel>, #tpu.dimension_semantics<subcore_parallel>], iteration_bounds = array<i64: 2, 16>, scalar_prefetch = 0 : i64, scratch_operands = 11 : i64, tpu.core_type = #tpu.core_type<sc_vector_subcore>, window_params = [{transform_indices = #map}, {transform_indices = #map}, {transform_indices = #map1}, {transform_indices = #map1}, {transform_indices = #map}]} {
    %mul3A = arith.constant 2 : i32
    %mul3A_0 = arith.muli %arg1, %mul3A : i32
    %add3A = arith.addi %mul3A_0, %arg0 : i32
    %mul3A_1 = arith.constant 25600 : i32
    %mul3A_2 = arith.muli %add3A, %mul3A_1 : i32
    %eq3A = arith.constant 0 : i32
    %eq3A_3 = arith.cmpi eq, %arg1, %eq3A : i32
    %convert_element_type3A = arith.extui %eq3A_3 : i1 to i32
    %cond3A = arith.constant 0 : i32
    %cond3A_4 = arith.cmpi ne, %convert_element_type3A, %cond3A : i32
    scf.if %cond3A_4 {
      "tpu.region"() ({
        %run_scoped3A = tpu.sem_alloc : memref<!tpu.dma_semaphore, #tpu.memory_space<semaphore_mem>>
        tpu.enqueue_dma source(%arg3 : memref<400x64xf32, #tpu.memory_space<hbm>>) target(%arg7 : memref<400x64xf32, #tpu.memory_space<vmem_shared>>) target_semaphore(%run_scoped3A : memref<!tpu.dma_semaphore, #tpu.memory_space<semaphore_mem>>)
        tpu.wait_dma2 semaphore(%run_scoped3A : memref<!tpu.dma_semaphore, #tpu.memory_space<semaphore_mem>>) src(%arg3 : memref<400x64xf32, #tpu.memory_space<hbm>>) dst(%arg7 : memref<400x64xf32, #tpu.memory_space<vmem_shared>>)
        tpu.yield
      }) : () -> ()
    } else {
    }
    "tpu.region"() ({
      %run_scoped3A = tpu.sem_alloc : memref<!tpu.dma_semaphore, #tpu.memory_space<semaphore_mem>>
      %dma_start3A_50 = tpu.memref_slice %arg4[%mul3A_2] : memref<819200xi32, #tpu.memory_space<hbm>> -> memref<25600xi32, #tpu.memory_space<hbm>>
      %dma_start3A_51 = tpu.memref_slice %arg4[%mul3A_2] : memref<819200xi32, #tpu.memory_space<hbm>> -> memref<25600xi32, #tpu.memory_space<hbm>>
      tpu.enqueue_dma source(%dma_start3A_51 : memref<25600xi32, #tpu.memory_space<hbm>>) target(%arg8 : memref<25600xi32, #tpu.memory_space<vmem>>) target_semaphore(%run_scoped3A : memref<!tpu.dma_semaphore, #tpu.memory_space<semaphore_mem>>)
      %dma_wait3A_52 = tpu.memref_slice %arg4[%mul3A_2] : memref<819200xi32, #tpu.memory_space<hbm>> -> memref<25600xi32, #tpu.memory_space<hbm>>
      %dma_wait3A_53 = tpu.memref_slice %arg4[%mul3A_2] : memref<819200xi32, #tpu.memory_space<hbm>> -> memref<25600xi32, #tpu.memory_space<hbm>>
      tpu.wait_dma2 semaphore(%run_scoped3A : memref<!tpu.dma_semaphore, #tpu.memory_space<semaphore_mem>>) src(%dma_wait3A_53 : memref<25600xi32, #tpu.memory_space<hbm>>) dst(%arg8 : memref<25600xi32, #tpu.memory_space<vmem>>)
      tpu.yield
    }) : () -> ()
    "tpu.region"() ({
      %run_scoped3A = tpu.sem_alloc : memref<!tpu.dma_semaphore, #tpu.memory_space<semaphore_mem>>
      %dma_start3A_50 = tpu.memref_slice %arg5[%mul3A_2] : memref<819200xi32, #tpu.memory_space<hbm>> -> memref<25600xi32, #tpu.memory_space<hbm>>
      %dma_start3A_51 = tpu.memref_slice %arg5[%mul3A_2] : memref<819200xi32, #tpu.memory_space<hbm>> -> memref<25600xi32, #tpu.memory_space<hbm>>
      tpu.enqueue_dma source(%dma_start3A_51 : memref<25600xi32, #tpu.memory_space<hbm>>) target(%arg9 : memref<25600xi32, #tpu.memory_space<vmem>>) target_semaphore(%run_scoped3A : memref<!tpu.dma_semaphore, #tpu.memory_space<semaphore_mem>>)
      %dma_wait3A_52 = tpu.memref_slice %arg5[%mul3A_2] : memref<819200xi32, #tpu.memory_space<hbm>> -> memref<25600xi32, #tpu.memory_space<hbm>>
      %dma_wait3A_53 = tpu.memref_slice %arg5[%mul3A_2] : memref<819200xi32, #tpu.memory_space<hbm>> -> memref<25600xi32, #tpu.memory_space<hbm>>
      tpu.wait_dma2 semaphore(%run_scoped3A : memref<!tpu.dma_semaphore, #tpu.memory_space<semaphore_mem>>) src(%dma_wait3A_53 : memref<25600xi32, #tpu.memory_space<hbm>>) dst(%arg9 : memref<25600xi32, #tpu.memory_space<vmem>>)
      tpu.yield
    }) : () -> ()
    %barrier3A = arith.constant 0 : index
    tpu.barrier barrier_id(%barrier3A)
    %dma_start3A = arith.constant 0 : i32
    %dma_start3A_5 = tpu.memref_slice %arg9[%dma_start3A] : memref<25600xi32, #tpu.memory_space<vmem>> -> memref<512xi32, #tpu.memory_space<vmem>>
    %dma_start3A_6 = arith.constant 0 : i32
    %dma_start3A_7 = arith.constant 0 : i32
    %dma_start3A_8 = tpu.memref_slice %arg7[%dma_start3A_6, %dma_start3A_7] : memref<400x64xf32, #tpu.memory_space<vmem_shared>> -> memref<400x64xf32, #tpu.memory_space<vmem_shared>>
    tpu.enqueue_indirect_dma source(%dma_start3A_8 : memref<400x64xf32, #tpu.memory_space<vmem_shared>>) target(%arg10 : memref<512x64xf32, #tpu.memory_space<vmem>>) offsets(%dma_start3A_5 : memref<512xi32, #tpu.memory_space<vmem>>) semaphore(%arg12 : memref<!tpu.dma_semaphore, #tpu.memory_space<semaphore_mem>>)
    %dma_wait3A = arith.constant 0 : i32
    %dma_wait3A_9 = tpu.memref_slice %arg9[%dma_wait3A] : memref<25600xi32, #tpu.memory_space<vmem>> -> memref<512xi32, #tpu.memory_space<vmem>>
    %dma_wait3A_10 = arith.constant 0 : i32
    %dma_wait3A_11 = arith.constant 0 : i32
    %dma_wait3A_12 = tpu.memref_slice %arg7[%dma_wait3A_10, %dma_wait3A_11] : memref<400x64xf32, #tpu.memory_space<vmem_shared>> -> memref<400x64xf32, #tpu.memory_space<vmem_shared>>
    tpu.wait_indirect_dma semaphore(%arg12 : memref<!tpu.dma_semaphore, #tpu.memory_space<semaphore_mem>>) src(%dma_wait3A_12 : memref<400x64xf32, #tpu.memory_space<vmem_shared>>) dst(%arg10 : memref<512x64xf32, #tpu.memory_space<vmem>>)
    %dma_start3A_13 = arith.constant 0 : i32
    %dma_start3A_14 = tpu.memref_slice %arg8[%dma_start3A_13] : memref<25600xi32, #tpu.memory_space<vmem>> -> memref<512xi32, #tpu.memory_space<vmem>>
    %dma_start3A_15 = arith.constant 0 : i32
    %dma_start3A_16 = arith.constant 0 : i32
    %dma_start3A_17 = tpu.memref_slice %arg2[%dma_start3A_15, %dma_start3A_16] : memref<1000000x64xf32, #tpu.memory_space<hbm>> -> memref<1000000x64xf32, #tpu.memory_space<hbm>>
    tpu.enqueue_indirect_dma source(%dma_start3A_17 : memref<1000000x64xf32, #tpu.memory_space<hbm>>) target(%arg10 : memref<512x64xf32, #tpu.memory_space<vmem>>) offsets(%dma_start3A_14 : memref<512xi32, #tpu.memory_space<vmem>>) semaphore(%arg14 : memref<!tpu.dma_semaphore, #tpu.memory_space<semaphore_mem>>) {add = true}
    %dma_start3A_18 = arith.constant 512 : i32
    %dma_start3A_19 = tpu.memref_slice %arg9[%dma_start3A_18] : memref<25600xi32, #tpu.memory_space<vmem>> -> memref<512xi32, #tpu.memory_space<vmem>>
    %dma_start3A_20 = arith.constant 0 : i32
    %dma_start3A_21 = arith.constant 0 : i32
    %dma_start3A_22 = tpu.memref_slice %arg7[%dma_start3A_20, %dma_start3A_21] : memref<400x64xf32, #tpu.memory_space<vmem_shared>> -> memref<400x64xf32, #tpu.memory_space<vmem_shared>>
    tpu.enqueue_indirect_dma source(%dma_start3A_22 : memref<400x64xf32, #tpu.memory_space<vmem_shared>>) target(%arg11 : memref<512x64xf32, #tpu.memory_space<vmem>>) offsets(%dma_start3A_19 : memref<512xi32, #tpu.memory_space<vmem>>) semaphore(%arg13 : memref<!tpu.dma_semaphore, #tpu.memory_space<semaphore_mem>>)
    %dma_wait3A_23 = arith.constant 512 : i32
    %dma_wait3A_24 = tpu.memref_slice %arg9[%dma_wait3A_23] : memref<25600xi32, #tpu.memory_space<vmem>> -> memref<512xi32, #tpu.memory_space<vmem>>
    %dma_wait3A_25 = arith.constant 0 : i32
    %dma_wait3A_26 = arith.constant 0 : i32
    %dma_wait3A_27 = tpu.memref_slice %arg7[%dma_wait3A_25, %dma_wait3A_26] : memref<400x64xf32, #tpu.memory_space<vmem_shared>> -> memref<400x64xf32, #tpu.memory_space<vmem_shared>>
    tpu.wait_indirect_dma semaphore(%arg13 : memref<!tpu.dma_semaphore, #tpu.memory_space<semaphore_mem>>) src(%dma_wait3A_27 : memref<400x64xf32, #tpu.memory_space<vmem_shared>>) dst(%arg11 : memref<512x64xf32, #tpu.memory_space<vmem>>)
    %dma_start3A_28 = arith.constant 512 : i32
    %dma_start3A_29 = tpu.memref_slice %arg8[%dma_start3A_28] : memref<25600xi32, #tpu.memory_space<vmem>> -> memref<512xi32, #tpu.memory_space<vmem>>
    %dma_start3A_30 = arith.constant 0 : i32
    %dma_start3A_31 = arith.constant 0 : i32
    %dma_start3A_32 = tpu.memref_slice %arg2[%dma_start3A_30, %dma_start3A_31] : memref<1000000x64xf32, #tpu.memory_space<hbm>> -> memref<1000000x64xf32, #tpu.memory_space<hbm>>
    tpu.enqueue_indirect_dma source(%dma_start3A_32 : memref<1000000x64xf32, #tpu.memory_space<hbm>>) target(%arg11 : memref<512x64xf32, #tpu.memory_space<vmem>>) offsets(%dma_start3A_29 : memref<512xi32, #tpu.memory_space<vmem>>) semaphore(%arg15 : memref<!tpu.dma_semaphore, #tpu.memory_space<semaphore_mem>>) {add = true}
    %scan3A = arith.constant 0 : i32
    %scan3A_33 = arith.constant 0 : i32
    %scan3A_34 = arith.constant 25 : i32
    %scan3A_35 = arith.addi %scan3A_33, %scan3A_34 : i32
    %scan3A_36 = arith.constant 1 : i32
    scf.for %scan3A_50 = %scan3A_33 to %scan3A_35 step %scan3A_36  : i32 {
      %mul3A_51 = arith.constant 2 : i32
      %mul3A_52 = arith.muli %mul3A_51, %scan3A_50 : i32
      %add3A_53 = arith.constant 0 : i32
      %add3A_54 = arith.addi %mul3A_52, %add3A_53 : i32
      %mul3A_55 = arith.constant 512 : i32
      %mul3A_56 = arith.muli %add3A_54, %mul3A_55 : i32
      %dma_wait3A_57 = tpu.memref_slice %arg8[%mul3A_56] : memref<25600xi32, #tpu.memory_space<vmem>> -> memref<512xi32, #tpu.memory_space<vmem>>
      %dma_wait3A_58 = arith.constant 0 : i32
      %dma_wait3A_59 = arith.constant 0 : i32
      %dma_wait3A_60 = tpu.memref_slice %arg2[%dma_wait3A_58, %dma_wait3A_59] : memref<1000000x64xf32, #tpu.memory_space<hbm>> -> memref<1000000x64xf32, #tpu.memory_space<hbm>>
      tpu.wait_indirect_dma semaphore(%arg14 : memref<!tpu.dma_semaphore, #tpu.memory_space<semaphore_mem>>) src(%dma_wait3A_60 : memref<1000000x64xf32, #tpu.memory_space<hbm>>) dst(%arg10 : memref<512x64xf32, #tpu.memory_space<vmem>>)
      %mul3A_61 = arith.constant 512 : i32
      %mul3A_62 = arith.muli %add3A_54, %mul3A_61 : i32
      %add3A_63 = arith.addi %mul3A_2, %mul3A_62 : i32
      %dma_start3A_64 = arith.constant 0 : i32
      %dma_start3A_65 = tpu.memref_slice %arg6[%add3A_63, %dma_start3A_64] : memref<819200x128xf32, #tpu.memory_space<hbm>> -> memref<512x64xf32, #tpu.memory_space<hbm>>
      %dma_start3A_66 = arith.constant 0 : i32
      %dma_start3A_67 = tpu.memref_slice %arg6[%add3A_63, %dma_start3A_66] : memref<819200x128xf32, #tpu.memory_space<hbm>> -> memref<512x64xf32, #tpu.memory_space<hbm>>
      tpu.enqueue_dma source(%arg10 : memref<512x64xf32, #tpu.memory_space<vmem>>) target(%dma_start3A_67 : memref<512x64xf32, #tpu.memory_space<hbm>>) target_semaphore(%arg16 : memref<!tpu.dma_semaphore, #tpu.memory_space<semaphore_mem>>)
      %lt3A = arith.constant 24 : i32
      %lt3A_68 = arith.cmpi slt, %scan3A_50, %lt3A : i32
      %convert_element_type3A_69 = arith.extui %lt3A_68 : i1 to i32
      %cond3A_70 = arith.constant 0 : i32
      %cond3A_71 = arith.cmpi ne, %convert_element_type3A_69, %cond3A_70 : i32
      scf.if %cond3A_71 {
        %mul3A_94 = arith.constant 512 : i32
        %mul3A_95 = arith.muli %add3A_54, %mul3A_94 : i32
        %add3A_96 = arith.addi %mul3A_2, %mul3A_95 : i32
        %dma_wait3A_97 = arith.constant 0 : i32
        %dma_wait3A_98 = tpu.memref_slice %arg6[%add3A_96, %dma_wait3A_97] : memref<819200x128xf32, #tpu.memory_space<hbm>> -> memref<512x64xf32, #tpu.memory_space<hbm>>
        %dma_wait3A_99 = arith.constant 0 : i32
        %dma_wait3A_100 = tpu.memref_slice %arg6[%add3A_96, %dma_wait3A_99] : memref<819200x128xf32, #tpu.memory_space<hbm>> -> memref<512x64xf32, #tpu.memory_space<hbm>>
        tpu.wait_dma2 semaphore(%arg16 : memref<!tpu.dma_semaphore, #tpu.memory_space<semaphore_mem>>) src(%arg10 : memref<512x64xf32, #tpu.memory_space<vmem>>) dst(%dma_wait3A_100 : memref<512x64xf32, #tpu.memory_space<hbm>>)
        %add3A_101 = arith.constant 2 : i32
        %add3A_102 = arith.addi %add3A_54, %add3A_101 : i32
        %mul3A_103 = arith.constant 512 : i32
        %mul3A_104 = arith.muli %add3A_102, %mul3A_103 : i32
        %dma_start3A_105 = tpu.memref_slice %arg9[%mul3A_104] : memref<25600xi32, #tpu.memory_space<vmem>> -> memref<512xi32, #tpu.memory_space<vmem>>
        %dma_start3A_106 = arith.constant 0 : i32
        %dma_start3A_107 = arith.constant 0 : i32
        %dma_start3A_108 = tpu.memref_slice %arg7[%dma_start3A_106, %dma_start3A_107] : memref<400x64xf32, #tpu.memory_space<vmem_shared>> -> memref<400x64xf32, #tpu.memory_space<vmem_shared>>
        tpu.enqueue_indirect_dma source(%dma_start3A_108 : memref<400x64xf32, #tpu.memory_space<vmem_shared>>) target(%arg10 : memref<512x64xf32, #tpu.memory_space<vmem>>) offsets(%dma_start3A_105 : memref<512xi32, #tpu.memory_space<vmem>>) semaphore(%arg12 : memref<!tpu.dma_semaphore, #tpu.memory_space<semaphore_mem>>)
        %dma_wait3A_109 = tpu.memref_slice %arg9[%mul3A_104] : memref<25600xi32, #tpu.memory_space<vmem>> -> memref<512xi32, #tpu.memory_space<vmem>>
        %dma_wait3A_110 = arith.constant 0 : i32
        %dma_wait3A_111 = arith.constant 0 : i32
        %dma_wait3A_112 = tpu.memref_slice %arg7[%dma_wait3A_110, %dma_wait3A_111] : memref<400x64xf32, #tpu.memory_space<vmem_shared>> -> memref<400x64xf32, #tpu.memory_space<vmem_shared>>
        tpu.wait_indirect_dma semaphore(%arg12 : memref<!tpu.dma_semaphore, #tpu.memory_space<semaphore_mem>>) src(%dma_wait3A_112 : memref<400x64xf32, #tpu.memory_space<vmem_shared>>) dst(%arg10 : memref<512x64xf32, #tpu.memory_space<vmem>>)
        %dma_start3A_113 = tpu.memref_slice %arg8[%mul3A_104] : memref<25600xi32, #tpu.memory_space<vmem>> -> memref<512xi32, #tpu.memory_space<vmem>>
        %dma_start3A_114 = arith.constant 0 : i32
        %dma_start3A_115 = arith.constant 0 : i32
        %dma_start3A_116 = tpu.memref_slice %arg2[%dma_start3A_114, %dma_start3A_115] : memref<1000000x64xf32, #tpu.memory_space<hbm>> -> memref<1000000x64xf32, #tpu.memory_space<hbm>>
        tpu.enqueue_indirect_dma source(%dma_start3A_116 : memref<1000000x64xf32, #tpu.memory_space<hbm>>) target(%arg10 : memref<512x64xf32, #tpu.memory_space<vmem>>) offsets(%dma_start3A_113 : memref<512xi32, #tpu.memory_space<vmem>>) semaphore(%arg14 : memref<!tpu.dma_semaphore, #tpu.memory_space<semaphore_mem>>) {add = true}
      } else {
      }
      %mul3A_72 = arith.constant 2 : i32
      %mul3A_73 = arith.muli %mul3A_72, %scan3A_50 : i32
      %add3A_74 = arith.constant 1 : i32
      %add3A_75 = arith.addi %mul3A_73, %add3A_74 : i32
      %mul3A_76 = arith.constant 512 : i32
      %mul3A_77 = arith.muli %add3A_75, %mul3A_76 : i32
      %dma_wait3A_78 = tpu.memref_slice %arg8[%mul3A_77] : memref<25600xi32, #tpu.memory_space<vmem>> -> memref<512xi32, #tpu.memory_space<vmem>>
      %dma_wait3A_79 = arith.constant 0 : i32
      %dma_wait3A_80 = arith.constant 0 : i32
      %dma_wait3A_81 = tpu.memref_slice %arg2[%dma_wait3A_79, %dma_wait3A_80] : memref<1000000x64xf32, #tpu.memory_space<hbm>> -> memref<1000000x64xf32, #tpu.memory_space<hbm>>
      tpu.wait_indirect_dma semaphore(%arg15 : memref<!tpu.dma_semaphore, #tpu.memory_space<semaphore_mem>>) src(%dma_wait3A_81 : memref<1000000x64xf32, #tpu.memory_space<hbm>>) dst(%arg11 : memref<512x64xf32, #tpu.memory_space<vmem>>)
      %mul3A_82 = arith.constant 512 : i32
      %mul3A_83 = arith.muli %add3A_75, %mul3A_82 : i32
      %add3A_84 = arith.addi %mul3A_2, %mul3A_83 : i32
      %dma_start3A_85 = arith.constant 0 : i32
      %dma_start3A_86 = tpu.memref_slice %arg6[%add3A_84, %dma_start3A_85] : memref<819200x128xf32, #tpu.memory_space<hbm>> -> memref<512x64xf32, #tpu.memory_space<hbm>>
      %dma_start3A_87 = arith.constant 0 : i32
      %dma_start3A_88 = tpu.memref_slice %arg6[%add3A_84, %dma_start3A_87] : memref<819200x128xf32, #tpu.memory_space<hbm>> -> memref<512x64xf32, #tpu.memory_space<hbm>>
      tpu.enqueue_dma source(%arg11 : memref<512x64xf32, #tpu.memory_space<vmem>>) target(%dma_start3A_88 : memref<512x64xf32, #tpu.memory_space<hbm>>) target_semaphore(%arg17 : memref<!tpu.dma_semaphore, #tpu.memory_space<semaphore_mem>>)
      %lt3A_89 = arith.constant 24 : i32
      %lt3A_90 = arith.cmpi slt, %scan3A_50, %lt3A_89 : i32
      %convert_element_type3A_91 = arith.extui %lt3A_90 : i1 to i32
      %cond3A_92 = arith.constant 0 : i32
      %cond3A_93 = arith.cmpi ne, %convert_element_type3A_91, %cond3A_92 : i32
      scf.if %cond3A_93 {
        %mul3A_94 = arith.constant 512 : i32
        %mul3A_95 = arith.muli %add3A_75, %mul3A_94 : i32
        %add3A_96 = arith.addi %mul3A_2, %mul3A_95 : i32
        %dma_wait3A_97 = arith.constant 0 : i32
        %dma_wait3A_98 = tpu.memref_slice %arg6[%add3A_96, %dma_wait3A_97] : memref<819200x128xf32, #tpu.memory_space<hbm>> -> memref<512x64xf32, #tpu.memory_space<hbm>>
        %dma_wait3A_99 = arith.constant 0 : i32
        %dma_wait3A_100 = tpu.memref_slice %arg6[%add3A_96, %dma_wait3A_99] : memref<819200x128xf32, #tpu.memory_space<hbm>> -> memref<512x64xf32, #tpu.memory_space<hbm>>
        tpu.wait_dma2 semaphore(%arg17 : memref<!tpu.dma_semaphore, #tpu.memory_space<semaphore_mem>>) src(%arg11 : memref<512x64xf32, #tpu.memory_space<vmem>>) dst(%dma_wait3A_100 : memref<512x64xf32, #tpu.memory_space<hbm>>)
        %add3A_101 = arith.constant 2 : i32
        %add3A_102 = arith.addi %add3A_75, %add3A_101 : i32
        %mul3A_103 = arith.constant 512 : i32
        %mul3A_104 = arith.muli %add3A_102, %mul3A_103 : i32
        %dma_start3A_105 = tpu.memref_slice %arg9[%mul3A_104] : memref<25600xi32, #tpu.memory_space<vmem>> -> memref<512xi32, #tpu.memory_space<vmem>>
        %dma_start3A_106 = arith.constant 0 : i32
        %dma_start3A_107 = arith.constant 0 : i32
        %dma_start3A_108 = tpu.memref_slice %arg7[%dma_start3A_106, %dma_start3A_107] : memref<400x64xf32, #tpu.memory_space<vmem_shared>> -> memref<400x64xf32, #tpu.memory_space<vmem_shared>>
        tpu.enqueue_indirect_dma source(%dma_start3A_108 : memref<400x64xf32, #tpu.memory_space<vmem_shared>>) target(%arg11 : memref<512x64xf32, #tpu.memory_space<vmem>>) offsets(%dma_start3A_105 : memref<512xi32, #tpu.memory_space<vmem>>) semaphore(%arg13 : memref<!tpu.dma_semaphore, #tpu.memory_space<semaphore_mem>>)
        %dma_wait3A_109 = tpu.memref_slice %arg9[%mul3A_104] : memref<25600xi32, #tpu.memory_space<vmem>> -> memref<512xi32, #tpu.memory_space<vmem>>
        %dma_wait3A_110 = arith.constant 0 : i32
        %dma_wait3A_111 = arith.constant 0 : i32
        %dma_wait3A_112 = tpu.memref_slice %arg7[%dma_wait3A_110, %dma_wait3A_111] : memref<400x64xf32, #tpu.memory_space<vmem_shared>> -> memref<400x64xf32, #tpu.memory_space<vmem_shared>>
        tpu.wait_indirect_dma semaphore(%arg13 : memref<!tpu.dma_semaphore, #tpu.memory_space<semaphore_mem>>) src(%dma_wait3A_112 : memref<400x64xf32, #tpu.memory_space<vmem_shared>>) dst(%arg11 : memref<512x64xf32, #tpu.memory_space<vmem>>)
        %dma_start3A_113 = tpu.memref_slice %arg8[%mul3A_104] : memref<25600xi32, #tpu.memory_space<vmem>> -> memref<512xi32, #tpu.memory_space<vmem>>
        %dma_start3A_114 = arith.constant 0 : i32
        %dma_start3A_115 = arith.constant 0 : i32
        %dma_start3A_116 = tpu.memref_slice %arg2[%dma_start3A_114, %dma_start3A_115] : memref<1000000x64xf32, #tpu.memory_space<hbm>> -> memref<1000000x64xf32, #tpu.memory_space<hbm>>
        tpu.enqueue_indirect_dma source(%dma_start3A_116 : memref<1000000x64xf32, #tpu.memory_space<hbm>>) target(%arg11 : memref<512x64xf32, #tpu.memory_space<vmem>>) offsets(%dma_start3A_113 : memref<512xi32, #tpu.memory_space<vmem>>) semaphore(%arg15 : memref<!tpu.dma_semaphore, #tpu.memory_space<semaphore_mem>>) {add = true}
      } else {
      }
    }
    %scan3A_37 = arith.constant 25 : i32
    %add3A_38 = arith.constant 24576 : i32
    %add3A_39 = arith.addi %mul3A_2, %add3A_38 : i32
    %dma_wait3A_40 = arith.constant 0 : i32
    %dma_wait3A_41 = tpu.memref_slice %arg6[%add3A_39, %dma_wait3A_40] : memref<819200x128xf32, #tpu.memory_space<hbm>> -> memref<512x64xf32, #tpu.memory_space<hbm>>
    %dma_wait3A_42 = arith.constant 0 : i32
    %dma_wait3A_43 = tpu.memref_slice %arg6[%add3A_39, %dma_wait3A_42] : memref<819200x128xf32, #tpu.memory_space<hbm>> -> memref<512x64xf32, #tpu.memory_space<hbm>>
    tpu.wait_dma2 semaphore(%arg16 : memref<!tpu.dma_semaphore, #tpu.memory_space<semaphore_mem>>) src(%arg10 : memref<512x64xf32, #tpu.memory_space<vmem>>) dst(%dma_wait3A_43 : memref<512x64xf32, #tpu.memory_space<hbm>>)
    %add3A_44 = arith.constant 25088 : i32
    %add3A_45 = arith.addi %mul3A_2, %add3A_44 : i32
    %dma_wait3A_46 = arith.constant 0 : i32
    %dma_wait3A_47 = tpu.memref_slice %arg6[%add3A_45, %dma_wait3A_46] : memref<819200x128xf32, #tpu.memory_space<hbm>> -> memref<512x64xf32, #tpu.memory_space<hbm>>
    %dma_wait3A_48 = arith.constant 0 : i32
    %dma_wait3A_49 = tpu.memref_slice %arg6[%add3A_45, %dma_wait3A_48] : memref<819200x128xf32, #tpu.memory_space<hbm>> -> memref<512x64xf32, #tpu.memory_space<hbm>>
    tpu.wait_dma2 semaphore(%arg17 : memref<!tpu.dma_semaphore, #tpu.memory_space<semaphore_mem>>) src(%arg11 : memref<512x64xf32, #tpu.memory_space<vmem>>) dst(%dma_wait3A_49 : memref<512x64xf32, #tpu.memory_space<hbm>>)
    return
  }
}

</mosaic_0001>

<sc_bundles>
// kernel: _run.3.cloned.1.call-start
scs
__scs_entry_jumppad:
0x0: {  	(pc) =	sbr.rel $0x88, $3  }
0x1: {  	(tag) =	ssettag $0x0;
	lr =	simm.s32 $0x1  }
0x2: {  	[smem:$0x3F9D] =	sst lr;
	_ =	strace $0xD0000000  }
0x3: {  	_ = 	snop  }
0x4: {  	_ = 	snop  }
0x5: {  	_ = 	snop  }
0x6: {  	_ = 	snop  }
0x7: {  	_ = 	snop  }
__scs_overlays_trampoline_lowered:
0x8: {  	[smem:$0x3FAC] =	sst s0  }
0x9: {  	[smem:$0x3FAD] =	sst s1  }
0xa: {  	[smem:$0x3FAE] =	sst s2  }
0xb: {  	[smem:$0x3FAF] =	sst s3  }
0xc: {  	[smem:$0x3FB0] =	sst s4  }
0xd: {  	[smem:$0x3FB1] =	sst s5  }
0xe: {  	[smem:$0x3FB2] =	sst s6  }
0xf: {  	[smem:$0x3FB3] =	sst s7  }
0x10: {  	[smem:$0x3FB4] =	sst s8  }
0x11: {  	[smem:$0x3FB5] =	sst s9;
	s0 =	simm.s32 @!p0 $0x0  }
0x12: {  	s1 =	sld [smem:$0x3F9B];
	s0 =	simm.s32 @p0 $0x1  }
0x13: {  	[smem:$0x3FB6] =	sst s0;
	s0 =	simm.s32 @!p1 $0x0  }
0x14: {  	s2 =	sld [smem:$0x3F9A];
	s0 =	simm.s32 @p1 $0x1  }
0x15: {  	[smem:$0x3FB7] =	sst s0;
	s0 =	simm.s32 @!p2 $0x0  }
0x16: {  	s3 =	sld [smem:$0x3FDB];
	s0 =	simm.s32 @p2 $0x1  }
0x17: {  	s4 =	simm.s32 $0x1BF5;
	[smem:$0x3FB9] =	sst s0  }
0x18: {  	s0 =	sld [smem:$0x3F9C];
	_ =	swait.ge [sflag:s4], $0x0  }
0x19: {  	s7 =	sld [smem:$0x3F9D]  }
0x1a: {  	s8 =	sadd.s32 $0xFFFFE003, lr  }
0x1b: {  	s9 =	sadd.s32 $0xFFFFFEF7, lr;
	s5 =	simm.s32 $0xFFFFFFFF;
	p2 =	slt.u32 s8, $0xFFFFF086  }
0x1c: {  	p1 =	slt.u32 s9, $0xF7A;
	s5 =	simm.s32 @!p2 $0x0  }
0x1d: {  	s5 =	simm.s32 @p1 $0x1;
	p0 =	seq.s32 s7, s2  }
0x1e: {  	s7 =	smul.u32 @!p0 $0xF7A, s2;
	p2 =	seq.s32 @!p0 s5, $0x0  }
0x1f: {  	s9 =	smul.u32 $0xF7A, s1;
	s8 =	simm.s32 @!p0 $0x1BF5;
	p2 =	por !p2, p0  }
0x20: {  	[sflag:s8] =	ssyncset.s32 @!p0 $0xFFFFF086;
	s6 =	sadd.s32 @!p0 s3, s7;
	s7 =	simm.s32 @!p0 $0x108  }
0x21: {  	s3 =	sadd.s32 s3, s9;
	s6 =	sadd.s32 @!p0 $0x88, s6;
	s7 =	simm.s32 @p2 $0x1082  }
0x22: {  	[simem:s7], [sflag:s8] =	dma.local @!p0 [hbm:s6], $0xF7A  }
0x23: {  	s9 =	sor.u32 $0xD0000000, s2;
	s6 =	simm.s32 $0x108;
	_ =	swait.ge @!p0 [sflag:s8], $0x0  }
0x24: {  	s3 =	sadd.s32 $0x88, s3;
	s6 =	simm.s32 @!p1 $0x1082;
	[sflag:s4] =	ssyncset.s32 $0xFFFFF086  }
0x25: {  	[simem:s6], [sflag:s4] =	dma.local [hbm:s3], $0xF7A  }
0x26: {  	[smem:$0x3F9D] =	sst s1;
	(tag) =	ssettag s2;
	_ =	strace s9  }
0x27: {  	s1 =	sld [smem:$0x3FAD]  }
0x28: {  	s2 =	sld [smem:$0x3FAE]  }
0x29: {  	s4 =	sld [smem:$0x3FB0]  }
0x2a: {  	p0 =	seq.s32 s5, $0x0;
	s5 =	sld [smem:$0x3FB1]  }
0x2b: {  	s6 =	sld [smem:$0x3FB2]  }
0x2c: {  	s7 =	sld [smem:$0x3FB3]  }
0x2d: {  	s3 =	simm.s32 $0x108;
	s8 =	sld [smem:$0x3FB4]  }
0x2e: {  	s3 =	simm.s32 @!p0 $0x1082;
	s9 =	sld [smem:$0x3FB5]  }
0x2f: {  	lr =	sadd.s32 s0, s3;
	s0 =	sld [smem:$0x3FAC]  }
0x30: {  	s3 =	sld [smem:$0x3FAF]  }
0x31: {  	[smem:$0x3FB8] =	sst s10  }
0x32: {  	s10 =	sld [smem:$0x3FB6];
	_ =	sdelay $0x3  }
0x33: {  	p0 =	seq.s32 s10, $0x1;
	s10 =	sld [smem:$0x3FB8];
	_ =	sdelay $0x3  }
0x34: {  	[smem:$0x3FB8] =	sst s10  }
0x35: {  	s10 =	sld [smem:$0x3FB7];
	_ =	sdelay $0x3  }
0x36: {  	p1 =	seq.s32 s10, $0x1;
	s10 =	sld [smem:$0x3FB8];
	_ =	sdelay $0x3  }
0x37: {  	[smem:$0x3FB8] =	sst s10  }
0x38: {  	s10 =	sld [smem:$0x3FB9]  }
0x39: {  	_ = 	snop;
	(pc) =	sbr.ind lr, $3  }
0x3a: {  	_ = 	snop  }
0x3b: {  	_ = 	snop  }
0x3c: {  	p2 =	seq.s32 s10, $0x1;
	s10 =	sld [smem:$0x3FB8]  }
0x3d: {  	_ =	shalt  }
0x3e: {  	_ =	shalt  }
0x3f: {  	_ =	shalt  }
0x40: {  	_ =	shalt  }
0x41: {  	_ =	shalt  }
0x42: {  	_ =	shalt  }
0x43: {  	_ =	shalt  }
0x44: {  	_ =	shalt  }
0x45: {  	_ =	shalt  }
0x46: {  	_ =	shalt  }
0x47: {  	_ =	shalt  }
0x48: {  	_ =	shalt  }
0x49: {  	_ =	shalt  }
0x4a: {  	_ =	shalt  }
0x4b: {  	_ =	shalt  }
0x4c: {  	_ =	shalt  }
0x4d: {  	_ =	shalt  }
0x4e: {  	_ =	shalt  }
0x4f: {  	_ =	shalt  }
0x50: {  	_ =	shalt  }
0x51: {  	_ =	shalt  }
0x52: {  	_ =	shalt  }
0x53: {  	_ =	shalt  }
0x54: {  	_ =	shalt  }
0x55: {  	_ =	shalt  }
0x56: {  	_ =	shalt  }
0x57: {  	_ =	shalt  }
0x58: {  	_ =	shalt  }
0x59: {  	_ =	shalt  }
0x5a: {  	_ =	shalt  }
0x5b: {  	_ =	shalt  }
0x5c: {  	_ =	shalt  }
0x5d: {  	_ =	shalt  }
0x5e: {  	_ =	shalt  }
0x5f: {  	_ =	shalt  }
0x60: {  	_ =	shalt  }
0x61: {  	_ =	shalt  }
0x62: {  	_ =	shalt  }
0x63: {  	_ =	shalt  }
0x64: {  	_ =	shalt  }
0x65: {  	_ =	shalt  }
0x66: {  	_ =	shalt  }
0x67: {  	_ =	shalt  }
0x68: {  	_ =	shalt  }
0x69: {  	_ =	shalt  }
0x6a: {  	_ =	shalt  }
0x6b: {  	_ =	shalt  }
0x6c: {  	_ =	shalt  }
0x6d: {  	_ =	shalt  }
0x6e: {  	_ =	shalt  }
0x6f: {  	_ =	shalt  }
0x70: {  	_ =	shalt  }
0x71: {  	_ =	shalt  }
0x72: {  	_ =	shalt  }
0x73: {  	_ =	shalt  }
0x74: {  	_ =	shalt  }
0x75: {  	_ =	shalt  }
0x76: {  	_ =	shalt  }
0x77: {  	_ =	shalt  }
0x78: {  	_ =	shalt  }
0x79: {  	_ =	shalt  }
0x7a: {  	_ =	shalt  }
0x7b: {  	_ =	shalt  }
0x7c: {  	_ =	shalt  }
0x7d: {  	_ =	shalt  }
0x7e: {  	_ =	shalt  }
0x7f: {  	_ =	shalt  }
0x80: {  	_ =	shalt  }
0x81: {  	_ =	shalt  }
0x82: {  	_ =	shalt  }
0x83: {  	_ =	shalt  }
0x84: {  	_ =	shalt  }
0x85: {  	_ =	shalt  }
0x86: {  	_ =	shalt  }
0x87: {  	_ =	shalt  }
.Lfunc_end0:
.L_simem_size_0:
called_computation_lowered:
.L_overlay_start_0:
0x88: {  	s2 =	sld [smem:$0x3FD9]  }
0x89: {  	s3 =	sld [smem:$0x3FFE];
	_ =	sdelay $0x1  }
0x8a: {  	s1 =	srdreg.scid  }
0x8b: {  	s0 =	sand.u32 $0x1, s1  }
0x8c: {  	s17 =	sshll.u32 s0, $0xA;
	s2 =	sadd.s32 s3, s2  }
0x8d: {  	s2 =	sadd.s32 s2, s17  }
0x8e: {  	[smem:$0x3FC4] =	sst s2  }
0x8f: {  	_ = 	snop  }
0x90: {  	s2 =	sld [smem:$0x3FC7]  }
0x91: {  	s18 =	sld [smem:$0x3FC6]  }
0x92: {  	s4 =	sld [smem:$0x3FD0];
	(tm) =	ssettm $0x1  }
0x93: {  	s5 =	sld [smem:$0x3FFB];
	_ =	sdelay $0x3  }
0x94: {  	_ =	strace s5  }
0x95: {  	s5 =	sld [smem:$0x3FFC];
	_ =	sdelay $0x3  }
0x96: {  	_ =	strace s5  }
0x97: {  	s5 =	sld [smem:$0x3FFD];
	_ =	sdelay $0x3  }
0x98: {  	_ =	strace s5  }
0x99: {  	_ =	strace $0x8FFFFFFF  }
0x9a: {  	s19 =	sld [smem:$0x3FDB];
	_ =	sdelay $0x1  }
0x9b: {  	s6 =	simm.s32 $_scs_section_size  }
0x9c: {  	s7 =	simm.s32 $_size__tile_overlayer_lowered;
	s8 =	simm.s32 $_tile_overlayer_lowered  }
0x9d: {  	s22 =	simm.s32 $0x1BFF;
	s21 =	sshll.u32 s8, $0x1;
	s5 =	sadd.s32 s6, s19  }
0x9e: {  	s9 =	simm.s32 $0x0;
	s20 =	sshll.u32 s7, $0x1;
	s7 =	sadd.s32 s21, s5  }
0x9f: {  	[timem:s9], [sflag:s22] =	dma.local [hbm:s7], s20  }
0xa0: {  	_ =	swait.ge [sflag:s22], s20  }
0xa1: {  	s6 =	ssub.s32 $0x0, s20;
	[sflag:s22] =	ssyncset.done $0x0  }
0xa2: {  	[sflag:s22] =	ssyncadd.s32 s6;
	_ =	sdelay $0x1  }
0xa3: {  	s23 =	simm.s32 $0x1B8B  }
0xa4: {  	_ =	swait.ge [sflag:s23], $0x1  }
0xa5: {  	[sflag:s23] =	ssyncset.done $0x0  }
0xa6: {  	s25 =	simm.s32 $0x1B8E;
	s24 =	sld [smem:$0x3FFE];
	[sflag:s23] =	ssyncadd.s32 $0xFFFFFFFF  }
0xa7: {  	s26 =	simm.s32 $execute0_lowered;
	[smem:$0x3FD2] =	sst s25  }
0xa8: {  	s7 =	sshll.u32 s26, $0x1;
	_ =	strace $0x80000046;
	[dreg:$0x1] =	wrdreg $0xFFFFFFFF  }
0xa9: {  	s28 =	simm.s32 $_size_execute0_lowered;
	s5 =	sadd.s32 s5, s7;
	[dreg:$0x0] =	wrdreg $0x0  }
0xaa: {  	s7 =	sshll.u32 s28, $0x1;
	[dreg:$0x2] =	wrdreg s5  }
0xab: {  	[dreg:$0x3] =	wrdreg s7  }
0xac: {  	[dreg:$0x4] =	wrdreg $0xC0  }
0xad: {  	_ =	task [dreg:s9], $0x5FFFF  }
0xae: {  	[dreg:$0x1] =	wrdreg $0xFFFFFFFF  }
0xaf: {  	[dreg:$0x0] =	wrdreg $0x60  }
0xb0: {  	[dreg:$0x2] =	wrdreg s24  }
0xb1: {  	[dreg:$0x3] =	wrdreg s2  }
0xb2: {  	[dreg:$0x4] =	wrdreg s18  }
0xb3: {  	[dreg:$0x5] =	wrdreg s4  }
0xb4: {  	[dreg:$0x6] =	wrdreg $0x0  }
0xb5: {  	[dreg:$0x7] =	wrdreg $0x9  }
0xb6: {  	_ =	task.clear_ibuf [dreg:s9], $0x8FFFF;
	_ =	strace $0x90000046  }
0xb7: {  	s29 =	simm.s32 $0x9;
	_ =	strace $0x80000048  }
0xb8: {  	_ =	swait.ge [sflag:s29], $0x1  }
0xb9: {  	[sflag:s29] =	ssyncadd.s32 $0xFFFFFFFF  }
0xba: {  	_ =	strace $0x90000048  }
0xbb: {  	_ =	sfence  }
0xbc: {  	s30 =	sld [smem:$0x0];
	_ =	sdelay $0x2  }
0xbd: {  	s31 =	sshll.u32 s1, $0xD;
	s1 =	sshrl.u32 s1, $0x2  }
0xbe: {  	s3 =	sand.u32 $0x4000, s31;
	s1 =	sadd.s32 s1, s30  }
0xbf: {  	s0 =	sor.u32 s3, s0;
	s1 =	sshll.u32 s1, $0x11  }
0xc0: {  	s0 =	sor.u32 s1, s0  }
0xc1: {  	s0 =	sadd.s32 $0x8F2B, s0  }
0xc2: {  	[sflag:s0] =	ssyncadd.remote.s32 $0x1  }
0xc3: {  	_ =	sfence.sel $0xFFFF  }
0xc4: {  	[dreg:$0x0] =	wrdreg $0xFFFFFFFF;
	(pc) =	sbr.abs _section_cstart, $3  }
0xc5: {  	[dreg:$0x1] =	wrdreg $0xFFFFFFFF  }
0xc6: {  	_ =	task.clear_ibuf [dreg:s9], $0x2FFFF;
	_ =	strace $0x9FFFFFFF  }
0xc7: {  	(tm) =	ssettm $0x7FFFFFFF  }
tec
execute0_lowered:
.L_overlay_start_1:
0x0: {  	(tag) =	ssettag $0x1  }
0x1: {  	s0 =	rddreg [dreg:$0x0]  }
0x2: {  	s5 =	rddreg [dreg:$0x1]  }
0x3: {  	s6 =	rddreg [dreg:$0x2]  }
0x4: {  	s10 =	rddreg [dreg:$0x3];
	s2 =	srdreg.scid  }
0x5: {  	s12 =	stileid.u32;
	s1 =	rddreg [dreg:$0x4]  }
0x6: {  	s19 =	simm.s32 $0x0;
	s16 =	simm.s32 $0x200;
	s17 =	simm.s32 $0xCE40  }
0x7: {  	s18 =	simm.s32 $0x1;
	s28 =	simm.s32 $0x4;
	s14 =	smul.u32 $0x640000, s12  }
0x8: {  	s29 =	simm.s32 $0x6;
	s7 =	sand.u32 $0x1, s2;
	s21 =	smul.u32 $0xC800, s12  }
0x9: {  	s30 =	simm.s32 $0x0;
	s3 =	sshll.u32 s12, $0x1;
	s15 =	smul.u32 $0x6400, s7  }
0xa: {  	[smem:$0x7FF] =	sst s19;
	s4 =	sor.u32 s7, s3;
	s23 =	smul.u32 $0x320000, s7  }
0xb: {  	p0 =	sne.s32 s12, $0x0;
	_ =	strace $0x80000047;
	s8 =	smul.u32 $0x6400, s4  }
0xc: {  	s3 =	sadd.s32 $0xF42A00, s0;
	s11 =	ssub.s32 $0x2, s7;
	s9 =	smul.u32 $0x320000, s4  }
0xd: {  	s12 =	sshrl.u32 @!p0 s1, $0x3;
	s13 =	smul.u32 $0x64000, s4;
	s20 =	sshrl.u32 s11, $0x1  }
0xe: {  	s4 =	sadd.s32 $0x600, s0;
	s0 =	ssub.s32 s11, s20;
	s24 =	sadd.s32 s15, s21  }
0xf: {  	s26 =	sadd.s32 s23, s14;
	s14 =	simm.s32 $0x7;
	s15 =	simm.s32 $0x6A40  }
0x10: {  	s20 =	simm.s32 $0x14E40;
	s21 =	simm.s32 $0x2;
	s23 =	simm.s32 $0x3  }
0x11: {  	s8 =	sshrl.u32 s8, $0x3;
	s9 =	sshrl.u32 s9, $0x3;
	s7 =	smax.u32 s0, $0x1  }
0x12: {  	s25 =	sadd.s32 s10, s13;
	s0 =	sshll.u32 s24, $0x4;
	s31 =	sshrl.u32 s26, $0x3  }
0x13: {  	s13 =	simm.s32 $0x640;
	s24 =	simm.s32 $0x40;
	s26 =	simm.s32 $0x5  }
0x14: {  	s5 =	sadd.s32 s5, s8;
	s6 =	sadd.s32 s6, s8;
	s22 =	sadd.s32 s10, s9  }
0x15: {  	s9 =	sadd.s32 $0x62000, s25;
	s0 =	sadd.s32 s0, s10;
	s10 =	sadd.s32 s31, s10  }
0x16: {  	s25 =	simm.s32 $0x80;
	s8 =	sadd.s32 $0x60000, s22;
	s11 =	sadd.s32 $0x2000, s0  }
.LBB2_1:
0x17: {  	s0 =	simm.s32 @!p0 $0x1C07  }
0x18: {  	[spmem:s12], [sflag:s0] =	dma.local @!p0 [hbm:s4], $0xC80  }
0x19: {  	s0 =	simm.s32 @!p0 $0x7  }
0x1a: {  	_ =	swait.ge @!p0 [sflag:s0], $0xC80  }
0x1b: {  	[sflag:s0] =	ssyncset.done @!p0 $0x0  }
0x1c: {  	s2 =	simm.s32 $0x0;
	[sflag:s0] =	ssyncadd.s32 @!p0 $0xFFFFF380  }
0x1d: {  	[tilespmem:s13], [sflag:$0x7] =	stream.linear.gather [hbm4b:s5+s2], $0x6400, $0x38;
	[tilespmem:$0x1CE40] =	vst v63  }
0x1e: {  	_ =	swait.ge [sflag:s14], $0x6400  }
0x1f: {  	[sflag:s14] =	ssyncset.done $0x0  }
0x20: {  	[sflag:s14] =	ssyncadd.s32 $0xFFFF9C00  }
0x21: {  	[tilespmem:s15], [sflag:$0x7] =	stream.linear.gather [hbm4b:s6+s2], $0x6400, $0x38;
	[tilespmem:$0x1CE40] =	vst v63  }
0x22: {  	_ =	swait.ge [sflag:s14], $0x6400  }
0x23: {  	[sflag:s14] =	ssyncset.done $0x0  }
0x24: {  	[sflag:s14] =	ssyncadd.s32 $0xFFFF9C00  }
0x25: {  	[bflag:$0x0] =	sbarrier.arrive $0xFFFF  }
0x26: {  	[tilespmem:s17], [sflag:$0x1] =	stream.indirect.gather [spmem:s1], $0x40, s15, s16, $0xb8;
	[tilespmem:$0x1CE40] =	vst v63  }
0x27: {  	_ =	swait.ge [sflag:s18], $0x8000  }
0x28: {  	[sflag:s18] =	ssyncset.done $0x0  }
0x29: {  	[sflag:s18] =	ssyncadd.s32 $0xFFFF8000  }
0x2a: {  	[tilespmem:s17], [sflag:$0x3] =	stream.indirect.gather.add.f32 [hbm:s3], $0x40, s13, s16, $0xb8;
	[tilespmem:$0x1CE40] =	vst v63  }
0x2b: {  	s19 =	simm.s32 $0x6C40  }
0x2c: {  	[tilespmem:s20], [sflag:$0x2] =	stream.indirect.gather [spmem:s1], $0x40, s19, s16, $0xb8;
	[tilespmem:$0x1CE40] =	vst v63  }
0x2d: {  	_ =	swait.ge [sflag:s21], $0x8000  }
0x2e: {  	[sflag:s21] =	ssyncset.done $0x0  }
0x2f: {  	s22 =	simm.s32 $0x840;
	[sflag:s21] =	ssyncadd.s32 $0xFFFF8000  }
0x30: {  	[tilespmem:s20], [sflag:$0x4] =	stream.indirect.gather.add.f32 [hbm:s3], $0x40, s22, s16, $0xb8;
	[tilespmem:$0x1CE40] =	vst v63  }
0x31: {  	_ =	swait.ge [sflag:s23], $0x8000  }
0x32: {  	[sflag:s23] =	ssyncset.done $0x0  }
0x33: {  	[sflag:s23] =	ssyncadd.s32 $0xFFFF8000  }
0x34: {  	[hbm4b:s10+s24] =	stream.strided.scatter [tilespmem:s17], [sflag:$0x5], $0x8000, s25, s24, $0x38;
	[tilespmem:$0x1CE40] =	vst v63  }
0x35: {  	_ =	swait.ge [sflag:s26], $0x8000  }
0x36: {  	[sflag:s26] =	ssyncset.done $0x0  }
0x37: {  	s2 =	simm.s32 $0x6E40;
	[sflag:s26] =	ssyncadd.s32 $0xFFFF8000  }
0x38: {  	[tilespmem:s17], [sflag:$0x1] =	stream.indirect.gather [spmem:s1], $0x40, s2, s16, $0xb8;
	[tilespmem:$0x1CE40] =	vst v63  }
0x39: {  	_ =	swait.ge [sflag:s18], $0x8000  }
0x3a: {  	[sflag:s18] =	ssyncset.done $0x0  }
0x3b: {  	s19 =	simm.s32 $0xA40;
	[sflag:s18] =	ssyncadd.s32 $0xFFFF8000  }
0x3c: {  	[tilespmem:s17], [sflag:$0x3] =	stream.indirect.gather.add.f32 [hbm:s3], $0x40, s19, s16, $0xb8;
	[tilespmem:$0x1CE40] =	vst v63  }
0x3d: {  	_ =	swait.ge [sflag:s28], $0x8000  }
0x3e: {  	[sflag:s28] =	ssyncset.done $0x0  }
0x3f: {  	[sflag:s28] =	ssyncadd.s32 $0xFFFF8000  }
0x40: {  	[hbm4b:s11+s24] =	stream.strided.scatter [tilespmem:s20], [sflag:$0x6], $0x8000, s25, s24, $0x38;
	[tilespmem:$0x1CE40] =	vst v63  }
0x41: {  	_ =	swait.ge [sflag:s29], $0x8000  }
0x42: {  	[sflag:s29] =	ssyncset.done $0x0  }
0x43: {  	s22 =	simm.s32 $0x7040;
	[sflag:s29] =	ssyncadd.s32 $0xFFFF8000  }
0x44: {  	[tilespmem:s20], [sflag:$0x2] =	stream.indirect.gather [spmem:s1], $0x40, s22, s16, $0xb8;
	[tilespmem:$0x1CE40] =	vst v63  }
0x45: {  	_ =	swait.ge [sflag:s21], $0x8000  }
0x46: {  	s31 =	simm.s32 $0x1000;
	s0 =	sadd.s32 $0x4000, s11;
	[sflag:s21] =	ssyncset.done $0x0  }
0x47: {  	s19 =	sadd.s32 $0x4000, s10;
	s22 =	simm.s32 $0xC40;
	[sflag:s21] =	ssyncadd.s32 $0xFFFF8000  }
.LBB2_2:
0x48: {  	[tilespmem:s20], [sflag:$0x4] =	stream.indirect.gather.add.f32 [hbm:s3], $0x40, s22, s16, $0xb8;
	[tilespmem:$0x1CE40] =	vst v63  }
0x49: {  	s22 =	smov.u32 s31  }
0x4a: {  	p1 =	sne.s32 s31, $0x17000;
	s31 =	sadd.s32 $0x1000, s31;
	_ =	swait.ge [sflag:s23], $0x8000  }
0x4b: {  	[sflag:s23] =	ssyncset.done $0x0  }
0x4c: {  	[sflag:s23] =	ssyncadd.s32 $0xFFFF8000  }
0x4d: {  	[hbm4b:s19+s24] =	stream.strided.scatter [tilespmem:s17], [sflag:$0x5], $0x8000, s25, s24, $0x38;
	[tilespmem:$0x1CE40] =	vst v63  }
0x4e: {  	_ =	swait.ge [sflag:s26], $0x8000  }
0x4f: {  	s22 =	sshra.s32 s22, $0x2;
	[sflag:s26] =	ssyncset.done $0x0  }
0x50: {  	s2 =	sadd.s32 $0x6E40, s22;
	[sflag:s26] =	ssyncadd.s32 $0xFFFF8000  }
0x51: {  	[tilespmem:s17], [sflag:$0x1] =	stream.indirect.gather [spmem:s1], $0x40, s2, s16, $0xb8;
	[tilespmem:$0x1CE40] =	vst v63  }
0x52: {  	_ =	swait.ge [sflag:s18], $0x8000  }
0x53: {  	[sflag:s18] =	ssyncset.done $0x0  }
0x54: {  	s2 =	sadd.s32 $0xA40, s22;
	[sflag:s18] =	ssyncadd.s32 $0xFFFF8000  }
0x55: {  	[tilespmem:s17], [sflag:$0x3] =	stream.indirect.gather.add.f32 [hbm:s3], $0x40, s2, s16, $0xb8;
	[tilespmem:$0x1CE40] =	vst v63  }
0x56: {  	_ =	swait.ge [sflag:s28], $0x8000  }
0x57: {  	[sflag:s28] =	ssyncset.done $0x0  }
0x58: {  	[sflag:s28] =	ssyncadd.s32 $0xFFFF8000  }
0x59: {  	[hbm4b:s0+s24] =	stream.strided.scatter [tilespmem:s20], [sflag:$0x6], $0x8000, s25, s24, $0x38;
	[tilespmem:$0x1CE40] =	vst v63  }
0x5a: {  	_ =	swait.ge [sflag:s29], $0x8000  }
0x5b: {  	[sflag:s29] =	ssyncset.done $0x0  }
.Ltmp0:
0x5c: {  	s2 =	sadd.s32 $0x7040, s22;
	[sflag:s29] =	ssyncadd.s32 $0xFFFF8000;
	(pc) =	sbr.rel @p1 .LBB2_2-.Ltmp0, $4  }
0x5d: {  	[tilespmem:s20], [sflag:$0x2] =	stream.indirect.gather [spmem:s1], $0x40, s2, s16, $0xb8;
	[tilespmem:$0x1CE40] =	vst v63  }
0x5e: {  	_ =	swait.ge [sflag:s21], $0x8000  }
0x5f: {  	s0 =	sadd.s32 $0x4000, s0;
	[sflag:s21] =	ssyncset.done $0x0  }
0x60: {  	s19 =	sadd.s32 $0x4000, s19;
	s22 =	sadd.s32 $0xC40, s22;
	[sflag:s21] =	ssyncadd.s32 $0xFFFF8000  }
0x61: {  	[tilespmem:s20], [sflag:$0x4] =	stream.indirect.gather.add.f32 [hbm:s3], $0x40, s22, s16, $0xb8;
	[tilespmem:$0x1CE40] =	vst v63  }
0x62: {  	_ =	swait.ge [sflag:s23], $0x8000  }
0x63: {  	[sflag:s23] =	ssyncset.done $0x0  }
0x64: {  	[sflag:s23] =	ssyncadd.s32 $0xFFFF8000  }
0x65: {  	[hbm4b:s8+s24] =	stream.strided.scatter [tilespmem:s17], [sflag:$0x5], $0x8000, s25, s24, $0x38;
	[tilespmem:$0x1CE40] =	vst v63  }
0x66: {  	_ =	swait.ge [sflag:s28], $0x8000  }
0x67: {  	[sflag:s28] =	ssyncset.done $0x0  }
0x68: {  	s30 =	sadd.s32 $0x1, s30;
	[sflag:s28] =	ssyncadd.s32 $0xFFFF8000  }
0x69: {  	[hbm4b:s9+s24] =	stream.strided.scatter [tilespmem:s20], [sflag:$0x6], $0x8000, s25, s24, $0x38;
	[tilespmem:$0x1CE40] =	vst v63  }
0x6a: {  	p1 =	sne.s32 s30, s7;
	_ =	swait.ge [sflag:s26], $0x8000  }
.Ltmp1:
0x6b: {  	[sflag:s26] =	ssyncset.done $0x0;
	(pc) =	sbr.rel @p1 .LBB2_1-.Ltmp1, $4  }
0x6c: {  	[sflag:s26] =	ssyncadd.s32 $0xFFFF8000  }
0x6d: {  	_ =	swait.ge [sflag:s29], $0x8000  }
0x6e: {  	[sflag:s29] =	ssyncset.done $0x0  }
0x6f: {  	[sflag:s29] =	ssyncadd.s32 $0xFFFF8000  }
0x70: {  	_ =	sfence.sel $0x180000  }
0x71: {  	[bflag:$0x0] =	sbarrier.arrive $0xFFFF  }
0x72: {  	_ =	strace $0x90000047  }
0x73: {  	[bflag:$0x2] =	sbarrier.arrive $0xFFFF  }
0x74: {  	s0 =	rddreg [dreg:$0x5]  }
0x75: {  	s0 =	sadd.s32 @!p0 $0x100000, s0  }
0x76: {  	[sflag:s0] =	ssyncadd.tile.s32 @!p0 $0x1;
	_ =	shalt  }
.Lfunc_end2:
_tile_overlayer_lowered:
.L_overlay_start_2:
0x77: {  	(tag) =	ssettag $0x2  }
0x78: {  	s0 =	rddreg [dreg:$0x0];
	s2 =	stileid.u32  }
0x79: {  	s1 =	rddreg [dreg:$0x1];
	p0 =	sne.s32 s2, $0x0  }
0x7a: {  	s3 =	rddreg [dreg:$0x2];
	[bflag:$0x3] =	sbarrier.arrive $0xFFFF;
	s2 =	simm.s32 @!p0 $0x1C07  }
0x7b: {  	[timem:s3], [sflag:s2] =	dma.local @!p0 [hbm:s0], s1  }
0x7c: {  	s0 =	simm.s32 @!p0 $0x7  }
0x7d: {  	_ =	swait.ge @!p0 [sflag:s0], s1  }
0x7e: {  	s1 =	ssub.s32 @!p0 $0x0, s1;
	[sflag:s0] =	ssyncset.done @!p0 $0x0  }
0x7f: {  	[sflag:s0] =	ssyncadd.s32 @!p0 s1  }
0x80: {  	[bflag:$0x3] =	sbarrier.arrive $0xFFFF  }
0x81: {  	_ =	shalt  }

</sc_bundles>
